<compile_context>
chip_gen: v7x
topology: tpu7x:2x2x1
jax: 0.10.2.dev20260603
libtpu: 0.0.44.dev20260713+nightly
codegen_flags: <defaults>
</compile_context>

<pallas_src>
import functools

import jax
import jax.numpy as jnp
from jax import lax
from jax.experimental import pallas as pl
from jax.experimental.pallas import tpu as pltpu
from jax.experimental.pallas import tpu_sc as plsc

SYM_LEN = 100000
MAX_SEQ_LEN = 200
EMB_DIM = 128
BATCH = 1024
SEQ = 200

_HALF = SEQ // 2
_NW = 32
_ROWS_PER_W = BATCH // _NW
_NSLOT = 3
_LANES = 16
_VPR = EMB_DIM // _LANES


def _emb_body(x_hbm, sym_hbm, pos_hbm, out_hbm,
              pos_v, idx_v, buf_v, gsem, wsem):
    nc = 2
    wid = lax.axis_index("s") * nc + lax.axis_index("c")
    c0 = wid * _ROWS_PER_W

    pltpu.sync_copy(pos_hbm, pos_v)
    pltpu.sync_copy(x_hbm.at[pl.ds(c0, _ROWS_PER_W)], idx_v)

    def gather_copies(b, slot):
        return [
            pltpu.make_async_copy(
                sym_hbm.at[idx_v.at[b, h]],
                buf_v.at[slot, pl.ds(h * _HALF, _HALF)],
                gsem.at[slot],
            )
            for h in range(2)
        ]

    def wb_copy(b, slot):
        return pltpu.make_async_copy(
            buf_v.at[slot],
            out_hbm.at[c0 + b],
            wsem.at[slot],
        )

    def add_pos(slot):
        def row(i, _):
            for j in range(_VPR):
                v = pos_v[i, pl.ds(j * _LANES, _LANES)]
                plsc.addupdate(buf_v.at[slot, i, pl.ds(j * _LANES, _LANES)], v)
            return 0

        lax.fori_loop(0, SEQ, row, 0, unroll=False)

    for c in gather_copies(0, 0):
        c.start()

    def step(b, _):
        slot = lax.rem(b, _NSLOT)
        for c in gather_copies(b, slot):
            c.wait()

        nb = b + 1
        nslot = lax.rem(nb, _NSLOT)

        @pl.when(nb < _ROWS_PER_W)
        def _():
            @pl.when(b >= _NSLOT - 1)
            def _():
                wb_copy(nb - _NSLOT, nslot).wait()

            for c in gather_copies(nb, nslot):
                c.start()

        add_pos(slot)
        wb_copy(b, slot).start()
        return 0

    lax.fori_loop(0, _ROWS_PER_W, step, 0, unroll=False)

    for t in range(_NSLOT):
        b = _ROWS_PER_W - _NSLOT + t
        wb_copy(b, lax.rem(jnp.int32(b), _NSLOT)).wait()


@jax.jit
def _emb_call(x3, sym_table, pos_table):
    mesh = plsc.VectorSubcoreMesh(core_axis_name="c", subcore_axis_name="s")
    k = functools.partial(
        pl.kernel,
        out_type=jax.ShapeDtypeStruct((BATCH, SEQ, EMB_DIM), jnp.float32),
        mesh=mesh,
        scratch_types=[
            pltpu.VMEM((MAX_SEQ_LEN, EMB_DIM), jnp.float32),
            pltpu.VMEM((_ROWS_PER_W, 2, _HALF), jnp.int32),
            pltpu.VMEM((_NSLOT, SEQ, EMB_DIM), jnp.float32),
            pltpu.SemaphoreType.DMA((_NSLOT,)),
            pltpu.SemaphoreType.DMA((_NSLOT,)),
        ],
    )(_emb_body)
    return k(x3, sym_table, pos_table)


def kernel(x, sym_table, pos_table):
    x3 = x.astype(jnp.int32).reshape(BATCH, 2, _HALF)
    return _emb_call(x3, sym_table, pos_table)

# --- scband reference (transcript-rebuilt; emitter-appended) ---
"""Pipeline reference for scband-embedding-12317966205620 (READ-ONLY COPY).

The authoritative reference and input builder live on the scoring server;
editing this copy changes nothing except your own understanding.
"""

import jax, jax.numpy as jnp
import numpy as np

SYM_LEN = 100000
MAX_SEQ_LEN = 200
EMB_DIM = 128
BATCH = 1024
SEQ = 200

def setup_inputs(seed: int = 0) -> dict:
    key = jax.random.key(seed)
    k1, k2, k3 = jax.random.split(key, 3)
    x = jax.random.randint(k1, (BATCH, SEQ), 0, SYM_LEN, dtype=jnp.int64 if jax.config.jax_enable_x64 else jnp.int32)
    sym_table = jax.random.normal(k2, (SYM_LEN, EMB_DIM), dtype=jnp.float32)
    pos_table = jax.random.normal(k3, (MAX_SEQ_LEN, EMB_DIM), dtype=jnp.float32)
    return {"x": x, "sym_table": sym_table, "pos_table": pos_table}

def reference(x, sym_table, pos_table):
    B, L = x.shape
    pos = jnp.arange(L)[None, :]
    sym_emb = jnp.take(sym_table, x, axis=0)
    pos_emb = jnp.take(pos_table, pos, axis=0)
    return sym_emb + pos_emb

if __name__ == "__main__":
    import jax
    _d = setup_inputs()
    print(jax.jit(kernel)(*tuple(_d.values())))

</pallas_src>

<mosaic_0001>
#map = affine_map<(d0, d1) -> (0, 0, 0)>
#map1 = affine_map<(d0, d1) -> (0, 0)>
module attributes {stable_mosaic.version = 14 : i64} {
  func.func @_emb_body(%arg0: i32, %arg1: i32, %arg2: memref<1024x2x100xi32, #tpu.memory_space<hbm>>, %arg3: memref<100000x128xf32, #tpu.memory_space<hbm>>, %arg4: memref<200x128xf32, #tpu.memory_space<hbm>>, %arg5: memref<1024x200x128xf32, #tpu.memory_space<hbm>>, %arg6: memref<200x128xf32, #tpu.memory_space<vmem>>, %arg7: memref<32x2x100xi32, #tpu.memory_space<vmem>>, %arg8: memref<3x200x128xf32, #tpu.memory_space<vmem>>, %arg9: memref<3x!tpu.dma_semaphore, #tpu.memory_space<semaphore_mem>>, %arg10: memref<3x!tpu.dma_semaphore, #tpu.memory_space<semaphore_mem>>) attributes {dimension_semantics = [#tpu.dimension_semantics<core_parallel>, #tpu.dimension_semantics<subcore_parallel>], iteration_bounds = array<i64: 2, 16>, scalar_prefetch = 0 : i64, scratch_operands = 5 : i64, tpu.core_type = #tpu.core_type<sc_vector_subcore>, window_params = [{transform_indices = #map}, {transform_indices = #map1}, {transform_indices = #map1}, {transform_indices = #map}]} {
    %mul3A = arith.constant 2 : i32
    %mul3A_0 = arith.muli %arg1, %mul3A : i32
    %add3A = arith.addi %mul3A_0, %arg0 : i32
    %mul3A_1 = arith.constant 32 : i32
    %mul3A_2 = arith.muli %add3A, %mul3A_1 : i32
    "tpu.region"() ({
      %run_scoped3A = tpu.sem_alloc : memref<!tpu.dma_semaphore, #tpu.memory_space<semaphore_mem>>
      tpu.enqueue_dma source(%arg4 : memref<200x128xf32, #tpu.memory_space<hbm>>) target(%arg6 : memref<200x128xf32, #tpu.memory_space<vmem>>) target_semaphore(%run_scoped3A : memref<!tpu.dma_semaphore, #tpu.memory_space<semaphore_mem>>)
      tpu.wait_dma2 semaphore(%run_scoped3A : memref<!tpu.dma_semaphore, #tpu.memory_space<semaphore_mem>>) src(%arg4 : memref<200x128xf32, #tpu.memory_space<hbm>>) dst(%arg6 : memref<200x128xf32, #tpu.memory_space<vmem>>)
      tpu.yield
    }) : () -> ()
    "tpu.region"() ({
      %run_scoped3A = tpu.sem_alloc : memref<!tpu.dma_semaphore, #tpu.memory_space<semaphore_mem>>
      %dma_start3A_107 = arith.constant 0 : i32
      %dma_start3A_108 = arith.constant 0 : i32
      %dma_start3A_109 = tpu.memref_slice %arg2[%mul3A_2, %dma_start3A_107, %dma_start3A_108] : memref<1024x2x100xi32, #tpu.memory_space<hbm>> -> memref<32x2x100xi32, #tpu.memory_space<hbm>>
      %dma_start3A_110 = arith.constant 0 : i32
      %dma_start3A_111 = arith.constant 0 : i32
      %dma_start3A_112 = tpu.memref_slice %arg2[%mul3A_2, %dma_start3A_110, %dma_start3A_111] : memref<1024x2x100xi32, #tpu.memory_space<hbm>> -> memref<32x2x100xi32, #tpu.memory_space<hbm>>
      tpu.enqueue_dma source(%dma_start3A_112 : memref<32x2x100xi32, #tpu.memory_space<hbm>>) target(%arg7 : memref<32x2x100xi32, #tpu.memory_space<vmem>>) target_semaphore(%run_scoped3A : memref<!tpu.dma_semaphore, #tpu.memory_space<semaphore_mem>>)
      %dma_wait3A_113 = arith.constant 0 : i32
      %dma_wait3A_114 = arith.constant 0 : i32
      %dma_wait3A_115 = tpu.memref_slice %arg2[%mul3A_2, %dma_wait3A_113, %dma_wait3A_114] : memref<1024x2x100xi32, #tpu.memory_space<hbm>> -> memref<32x2x100xi32, #tpu.memory_space<hbm>>
      %dma_wait3A_116 = arith.constant 0 : i32
      %dma_wait3A_117 = arith.constant 0 : i32
      %dma_wait3A_118 = tpu.memref_slice %arg2[%mul3A_2, %dma_wait3A_116, %dma_wait3A_117] : memref<1024x2x100xi32, #tpu.memory_space<hbm>> -> memref<32x2x100xi32, #tpu.memory_space<hbm>>
      tpu.wait_dma2 semaphore(%run_scoped3A : memref<!tpu.dma_semaphore, #tpu.memory_space<semaphore_mem>>) src(%dma_wait3A_118 : memref<32x2x100xi32, #tpu.memory_space<hbm>>) dst(%arg7 : memref<32x2x100xi32, #tpu.memory_space<vmem>>)
      tpu.yield
    }) : () -> ()
    %dma_start3A = arith.constant 0 : i32
    %dma_start3A_3 = arith.constant 0 : i32
    %dma_start3A_4 = arith.constant 0 : i32
    %dma_start3A_5 = arith.constant 0 : i32
    %dma_start3A_6 = arith.constant 0 : i32
    %dma_start3A_7 = arith.constant 0 : i32
    %dma_start3A_8 = tpu.memref_slice %arg8[%dma_start3A_4, %dma_start3A_6, %dma_start3A_7] : memref<3x200x128xf32, #tpu.memory_space<vmem>> -> memref<1x100x128xf32, #tpu.memory_space<vmem>>
    %dma_start3A_9 = tpu.memref_squeeze %dma_start3A_8 : memref<1x100x128xf32, #tpu.memory_space<vmem>> -> memref<100x128xf32, #tpu.memory_space<vmem>>
    %dma_start3A_10 = arith.constant 0 : i32
    %dma_start3A_11 = tpu.memref_slice %arg7[%dma_start3A, %dma_start3A_3, %dma_start3A_10] : memref<32x2x100xi32, #tpu.memory_space<vmem>> -> memref<1x1x100xi32, #tpu.memory_space<vmem>>
    %dma_start3A_12 = tpu.memref_squeeze %dma_start3A_11 : memref<1x1x100xi32, #tpu.memory_space<vmem>> -> memref<100xi32, #tpu.memory_space<vmem>>
    %dma_start3A_13 = arith.constant 0 : i32
    %dma_start3A_14 = arith.constant 0 : i32
    %dma_start3A_15 = tpu.memref_slice %arg3[%dma_start3A_13, %dma_start3A_14] : memref<100000x128xf32, #tpu.memory_space<hbm>> -> memref<100000x128xf32, #tpu.memory_space<hbm>>
    %dma_start3A_16 = tpu.memref_slice %arg9[%dma_start3A_5] : memref<3x!tpu.dma_semaphore, #tpu.memory_space<semaphore_mem>> -> memref<1x!tpu.dma_semaphore, #tpu.memory_space<semaphore_mem>>
    %dma_start3A_17 = tpu.memref_squeeze %dma_start3A_16 : memref<1x!tpu.dma_semaphore, #tpu.memory_space<semaphore_mem>> -> memref<!tpu.dma_semaphore, #tpu.memory_space<semaphore_mem>>
    tpu.enqueue_indirect_dma source(%dma_start3A_15 : memref<100000x128xf32, #tpu.memory_space<hbm>>) target(%dma_start3A_9 : memref<100x128xf32, #tpu.memory_space<vmem>>) offsets(%dma_start3A_12 : memref<100xi32, #tpu.memory_space<vmem>>) semaphore(%dma_start3A_17 : memref<!tpu.dma_semaphore, #tpu.memory_space<semaphore_mem>>)
    %dma_start3A_18 = arith.constant 0 : i32
    %dma_start3A_19 = arith.constant 1 : i32
    %dma_start3A_20 = arith.constant 0 : i32
    %dma_start3A_21 = arith.constant 0 : i32
    %dma_start3A_22 = arith.constant 100 : i32
    %dma_start3A_23 = arith.constant 0 : i32
    %dma_start3A_24 = tpu.memref_slice %arg8[%dma_start3A_20, %dma_start3A_22, %dma_start3A_23] : memref<3x200x128xf32, #tpu.memory_space<vmem>> -> memref<1x100x128xf32, #tpu.memory_space<vmem>>
    %dma_start3A_25 = tpu.memref_squeeze %dma_start3A_24 : memref<1x100x128xf32, #tpu.memory_space<vmem>> -> memref<100x128xf32, #tpu.memory_space<vmem>>
    %dma_start3A_26 = arith.constant 0 : i32
    %dma_start3A_27 = tpu.memref_slice %arg7[%dma_start3A_18, %dma_start3A_19, %dma_start3A_26] : memref<32x2x100xi32, #tpu.memory_space<vmem>> -> memref<1x1x100xi32, #tpu.memory_space<vmem>>
    %dma_start3A_28 = tpu.memref_squeeze %dma_start3A_27 : memref<1x1x100xi32, #tpu.memory_space<vmem>> -> memref<100xi32, #tpu.memory_space<vmem>>
    %dma_start3A_29 = arith.constant 0 : i32
    %dma_start3A_30 = arith.constant 0 : i32
    %dma_start3A_31 = tpu.memref_slice %arg3[%dma_start3A_29, %dma_start3A_30] : memref<100000x128xf32, #tpu.memory_space<hbm>> -> memref<100000x128xf32, #tpu.memory_space<hbm>>
    %dma_start3A_32 = tpu.memref_slice %arg9[%dma_start3A_21] : memref<3x!tpu.dma_semaphore, #tpu.memory_space<semaphore_mem>> -> memref<1x!tpu.dma_semaphore, #tpu.memory_space<semaphore_mem>>
    %dma_start3A_33 = tpu.memref_squeeze %dma_start3A_32 : memref<1x!tpu.dma_semaphore, #tpu.memory_space<semaphore_mem>> -> memref<!tpu.dma_semaphore, #tpu.memory_space<semaphore_mem>>
    tpu.enqueue_indirect_dma source(%dma_start3A_31 : memref<100000x128xf32, #tpu.memory_space<hbm>>) target(%dma_start3A_25 : memref<100x128xf32, #tpu.memory_space<vmem>>) offsets(%dma_start3A_28 : memref<100xi32, #tpu.memory_space<vmem>>) semaphore(%dma_start3A_33 : memref<!tpu.dma_semaphore, #tpu.memory_space<semaphore_mem>>)
    %scan3A = arith.constant 0 : i32
    %scan3A_34 = arith.constant 0 : i32
    %scan3A_35 = arith.constant 32 : i32
    %scan3A_36 = arith.addi %scan3A_34, %scan3A_35 : i32
    %scan3A_37 = arith.constant 1 : i32
    %scan3A_38 = scf.for %scan3A_107 = %scan3A_34 to %scan3A_36 step %scan3A_37 iter_args(%scan3A_108 = %scan3A) -> (i32)  : i32 {
      %rem3A_109 = arith.constant 3 : i32
      %rem3A_110 = arith.remsi %scan3A_107, %rem3A_109 : i32
      %dma_wait3A_111 = arith.constant 0 : i32
      %dma_wait3A_112 = arith.constant 0 : i32
      %dma_wait3A_113 = arith.constant 0 : i32
      %dma_wait3A_114 = tpu.memref_slice %arg8[%rem3A_110, %dma_wait3A_112, %dma_wait3A_113] : memref<3x200x128xf32, #tpu.memory_space<vmem>> -> memref<1x100x128xf32, #tpu.memory_space<vmem>>
      %dma_wait3A_115 = tpu.memref_squeeze %dma_wait3A_114 : memref<1x100x128xf32, #tpu.memory_space<vmem>> -> memref<100x128xf32, #tpu.memory_space<vmem>>
      %dma_wait3A_116 = arith.constant 0 : i32
      %dma_wait3A_117 = tpu.memref_slice %arg7[%scan3A_107, %dma_wait3A_111, %dma_wait3A_116] : memref<32x2x100xi32, #tpu.memory_space<vmem>> -> memref<1x1x100xi32, #tpu.memory_space<vmem>>
      %dma_wait3A_118 = tpu.memref_squeeze %dma_wait3A_117 : memref<1x1x100xi32, #tpu.memory_space<vmem>> -> memref<100xi32, #tpu.memory_space<vmem>>
      %dma_wait3A_119 = arith.constant 0 : i32
      %dma_wait3A_120 = arith.constant 0 : i32
      %dma_wait3A_121 = tpu.memref_slice %arg3[%dma_wait3A_119, %dma_wait3A_120] : memref<100000x128xf32, #tpu.memory_space<hbm>> -> memref<100000x128xf32, #tpu.memory_space<hbm>>
      %dma_wait3A_122 = tpu.memref_slice %arg9[%rem3A_110] : memref<3x!tpu.dma_semaphore, #tpu.memory_space<semaphore_mem>> -> memref<1x!tpu.dma_semaphore, #tpu.memory_space<semaphore_mem>>
      %dma_wait3A_123 = tpu.memref_squeeze %dma_wait3A_122 : memref<1x!tpu.dma_semaphore, #tpu.memory_space<semaphore_mem>> -> memref<!tpu.dma_semaphore, #tpu.memory_space<semaphore_mem>>
      tpu.wait_indirect_dma semaphore(%dma_wait3A_123 : memref<!tpu.dma_semaphore, #tpu.memory_space<semaphore_mem>>) src(%dma_wait3A_121 : memref<100000x128xf32, #tpu.memory_space<hbm>>) dst(%dma_wait3A_115 : memref<100x128xf32, #tpu.memory_space<vmem>>)
      %dma_wait3A_124 = arith.constant 1 : i32
      %dma_wait3A_125 = arith.constant 100 : i32
      %dma_wait3A_126 = arith.constant 0 : i32
      %dma_wait3A_127 = tpu.memref_slice %arg8[%rem3A_110, %dma_wait3A_125, %dma_wait3A_126] : memref<3x200x128xf32, #tpu.memory_space<vmem>> -> memref<1x100x128xf32, #tpu.memory_space<vmem>>
      %dma_wait3A_128 = tpu.memref_squeeze %dma_wait3A_127 : memref<1x100x128xf32, #tpu.memory_space<vmem>> -> memref<100x128xf32, #tpu.memory_space<vmem>>
      %dma_wait3A_129 = arith.constant 0 : i32
      %dma_wait3A_130 = tpu.memref_slice %arg7[%scan3A_107, %dma_wait3A_124, %dma_wait3A_129] : memref<32x2x100xi32, #tpu.memory_space<vmem>> -> memref<1x1x100xi32, #tpu.memory_space<vmem>>
      %dma_wait3A_131 = tpu.memref_squeeze %dma_wait3A_130 : memref<1x1x100xi32, #tpu.memory_space<vmem>> -> memref<100xi32, #tpu.memory_space<vmem>>
      %dma_wait3A_132 = arith.constant 0 : i32
      %dma_wait3A_133 = arith.constant 0 : i32
      %dma_wait3A_134 = tpu.memref_slice %arg3[%dma_wait3A_132, %dma_wait3A_133] : memref<100000x128xf32, #tpu.memory_space<hbm>> -> memref<100000x128xf32, #tpu.memory_space<hbm>>
      %dma_wait3A_135 = tpu.memref_slice %arg9[%rem3A_110] : memref<3x!tpu.dma_semaphore, #tpu.memory_space<semaphore_mem>> -> memref<1x!tpu.dma_semaphore, #tpu.memory_space<semaphore_mem>>
      %dma_wait3A_136 = tpu.memref_squeeze %dma_wait3A_135 : memref<1x!tpu.dma_semaphore, #tpu.memory_space<semaphore_mem>> -> memref<!tpu.dma_semaphore, #tpu.memory_space<semaphore_mem>>
      tpu.wait_indirect_dma semaphore(%dma_wait3A_136 : memref<!tpu.dma_semaphore, #tpu.memory_space<semaphore_mem>>) src(%dma_wait3A_134 : memref<100000x128xf32, #tpu.memory_space<hbm>>) dst(%dma_wait3A_128 : memref<100x128xf32, #tpu.memory_space<vmem>>)
      %add3A_137 = arith.constant 1 : i32
      %add3A_138 = arith.addi %scan3A_107, %add3A_137 : i32
      %rem3A_139 = arith.constant 3 : i32
      %rem3A_140 = arith.remsi %add3A_138, %rem3A_139 : i32
      %lt3A = arith.constant 32 : i32
      %lt3A_141 = arith.cmpi slt, %add3A_138, %lt3A : i32
      %convert_element_type3A = arith.extui %lt3A_141 : i1 to i32
      %cond3A = arith.constant 0 : i32
      %cond3A_142 = arith.cmpi ne, %convert_element_type3A, %cond3A : i32
      scf.if %cond3A_142 {
        %ge3A = arith.constant 2 : i32
        %ge3A_170 = arith.cmpi sge, %scan3A_107, %ge3A : i32
        %convert_element_type3A_171 = arith.extui %ge3A_170 : i1 to i32
        %cond3A_172 = arith.constant 0 : i32
        %cond3A_173 = arith.cmpi ne, %convert_element_type3A_171, %cond3A_172 : i32
        scf.if %cond3A_173 {
          %sub3A = arith.constant 3 : i32
          %sub3A_200 = arith.subi %add3A_138, %sub3A : i32
          %add3A_201 = arith.addi %mul3A_2, %sub3A_200 : i32
          %dma_wait3A_202 = arith.constant 0 : i32
          %dma_wait3A_203 = arith.constant 0 : i32
          %dma_wait3A_204 = tpu.memref_slice %arg8[%rem3A_140, %dma_wait3A_202, %dma_wait3A_203] : memref<3x200x128xf32, #tpu.memory_space<vmem>> -> memref<1x200x128xf32, #tpu.memory_space<vmem>>
          %dma_wait3A_205 = tpu.memref_squeeze %dma_wait3A_204 : memref<1x200x128xf32, #tpu.memory_space<vmem>> -> memref<200x128xf32, #tpu.memory_space<vmem>>
          %dma_wait3A_206 = arith.constant 0 : i32
          %dma_wait3A_207 = arith.constant 0 : i32
          %dma_wait3A_208 = tpu.memref_slice %arg5[%add3A_201, %dma_wait3A_206, %dma_wait3A_207] : memref<1024x200x128xf32, #tpu.memory_space<hbm>> -> memref<1x200x128xf32, #tpu.memory_space<hbm>>
          %dma_wait3A_209 = tpu.memref_squeeze %dma_wait3A_208 : memref<1x200x128xf32, #tpu.memory_space<hbm>> -> memref<200x128xf32, #tpu.memory_space<hbm>>
          %dma_wait3A_210 = tpu.memref_slice %arg10[%rem3A_140] : memref<3x!tpu.dma_semaphore, #tpu.memory_space<semaphore_mem>> -> memref<1x!tpu.dma_semaphore, #tpu.memory_space<semaphore_mem>>
          %dma_wait3A_211 = tpu.memref_squeeze %dma_wait3A_210 : memref<1x!tpu.dma_semaphore, #tpu.memory_space<semaphore_mem>> -> memref<!tpu.dma_semaphore, #tpu.memory_space<semaphore_mem>>
          %dma_wait3A_212 = arith.constant 0 : i32
          %dma_wait3A_213 = arith.constant 0 : i32
          %dma_wait3A_214 = tpu.memref_slice %arg5[%add3A_201, %dma_wait3A_212, %dma_wait3A_213] : memref<1024x200x128xf32, #tpu.memory_space<hbm>> -> memref<1x200x128xf32, #tpu.memory_space<hbm>>
          %dma_wait3A_215 = tpu.memref_squeeze %dma_wait3A_214 : memref<1x200x128xf32, #tpu.memory_space<hbm>> -> memref<200x128xf32, #tpu.memory_space<hbm>>
          %dma_wait3A_216 = arith.constant 0 : i32
          %dma_wait3A_217 = arith.constant 0 : i32
          %dma_wait3A_218 = tpu.memref_slice %arg8[%rem3A_140, %dma_wait3A_216, %dma_wait3A_217] : memref<3x200x128xf32, #tpu.memory_space<vmem>> -> memref<1x200x128xf32, #tpu.memory_space<vmem>>
          %dma_wait3A_219 = tpu.memref_squeeze %dma_wait3A_218 : memref<1x200x128xf32, #tpu.memory_space<vmem>> -> memref<200x128xf32, #tpu.memory_space<vmem>>
          tpu.wait_dma2 semaphore(%dma_wait3A_211 : memref<!tpu.dma_semaphore, #tpu.memory_space<semaphore_mem>>) src(%dma_wait3A_219 : memref<200x128xf32, #tpu.memory_space<vmem>>) dst(%dma_wait3A_215 : memref<200x128xf32, #tpu.memory_space<hbm>>)
        } else {
        }
        %dma_start3A_174 = arith.constant 0 : i32
        %dma_start3A_175 = arith.constant 0 : i32
        %dma_start3A_176 = arith.constant 0 : i32
        %dma_start3A_177 = tpu.memref_slice %arg8[%rem3A_140, %dma_start3A_175, %dma_start3A_176] : memref<3x200x128xf32, #tpu.memory_space<vmem>> -> memref<1x100x128xf32, #tpu.memory_space<vmem>>
        %dma_start3A_178 = tpu.memref_squeeze %dma_start3A_177 : memref<1x100x128xf32, #tpu.memory_space<vmem>> -> memref<100x128xf32, #tpu.memory_space<vmem>>
        %dma_start3A_179 = arith.constant 0 : i32
        %dma_start3A_180 = tpu.memref_slice %arg7[%add3A_138, %dma_start3A_174, %dma_start3A_179] : memref<32x2x100xi32, #tpu.memory_space<vmem>> -> memref<1x1x100xi32, #tpu.memory_space<vmem>>
        %dma_start3A_181 = tpu.memref_squeeze %dma_start3A_180 : memref<1x1x100xi32, #tpu.memory_space<vmem>> -> memref<100xi32, #tpu.memory_space<vmem>>
        %dma_start3A_182 = arith.constant 0 : i32
        %dma_start3A_183 = arith.constant 0 : i32
        %dma_start3A_184 = tpu.memref_slice %arg3[%dma_start3A_182, %dma_start3A_183] : memref<100000x128xf32, #tpu.memory_space<hbm>> -> memref<100000x128xf32, #tpu.memory_space<hbm>>
        %dma_start3A_185 = tpu.memref_slice %arg9[%rem3A_140] : memref<3x!tpu.dma_semaphore, #tpu.memory_space<semaphore_mem>> -> memref<1x!tpu.dma_semaphore, #tpu.memory_space<semaphore_mem>>
        %dma_start3A_186 = tpu.memref_squeeze %dma_start3A_185 : memref<1x!tpu.dma_semaphore, #tpu.memory_space<semaphore_mem>> -> memref<!tpu.dma_semaphore, #tpu.memory_space<semaphore_mem>>
        tpu.enqueue_indirect_dma source(%dma_start3A_184 : memref<100000x128xf32, #tpu.memory_space<hbm>>) target(%dma_start3A_178 : memref<100x128xf32, #tpu.memory_space<vmem>>) offsets(%dma_start3A_181 : memref<100xi32, #tpu.memory_space<vmem>>) semaphore(%dma_start3A_186 : memref<!tpu.dma_semaphore, #tpu.memory_space<semaphore_mem>>)
        %dma_start3A_187 = arith.constant 1 : i32
        %dma_start3A_188 = arith.constant 100 : i32
        %dma_start3A_189 = arith.constant 0 : i32
        %dma_start3A_190 = tpu.memref_slice %arg8[%rem3A_140, %dma_start3A_188, %dma_start3A_189] : memref<3x200x128xf32, #tpu.memory_space<vmem>> -> memref<1x100x128xf32, #tpu.memory_space<vmem>>
        %dma_start3A_191 = tpu.memref_squeeze %dma_start3A_190 : memref<1x100x128xf32, #tpu.memory_space<vmem>> -> memref<100x128xf32, #tpu.memory_space<vmem>>
        %dma_start3A_192 = arith.constant 0 : i32
        %dma_start3A_193 = tpu.memref_slice %arg7[%add3A_138, %dma_start3A_187, %dma_start3A_192] : memref<32x2x100xi32, #tpu.memory_space<vmem>> -> memref<1x1x100xi32, #tpu.memory_space<vmem>>
        %dma_start3A_194 = tpu.memref_squeeze %dma_start3A_193 : memref<1x1x100xi32, #tpu.memory_space<vmem>> -> memref<100xi32, #tpu.memory_space<vmem>>
        %dma_start3A_195 = arith.constant 0 : i32
        %dma_start3A_196 = arith.constant 0 : i32
        %dma_start3A_197 = tpu.memref_slice %arg3[%dma_start3A_195, %dma_start3A_196] : memref<100000x128xf32, #tpu.memory_space<hbm>> -> memref<100000x128xf32, #tpu.memory_space<hbm>>
        %dma_start3A_198 = tpu.memref_slice %arg9[%rem3A_140] : memref<3x!tpu.dma_semaphore, #tpu.memory_space<semaphore_mem>> -> memref<1x!tpu.dma_semaphore, #tpu.memory_space<semaphore_mem>>
        %dma_start3A_199 = tpu.memref_squeeze %dma_start3A_198 : memref<1x!tpu.dma_semaphore, #tpu.memory_space<semaphore_mem>> -> memref<!tpu.dma_semaphore, #tpu.memory_space<semaphore_mem>>
        tpu.enqueue_indirect_dma source(%dma_start3A_197 : memref<100000x128xf32, #tpu.memory_space<hbm>>) target(%dma_start3A_191 : memref<100x128xf32, #tpu.memory_space<vmem>>) offsets(%dma_start3A_194 : memref<100xi32, #tpu.memory_space<vmem>>) semaphore(%dma_start3A_199 : memref<!tpu.dma_semaphore, #tpu.memory_space<semaphore_mem>>)
      } else {
      }
      %scan3A_143 = arith.constant 0 : i32
      %scan3A_144 = arith.constant 0 : i32
      %scan3A_145 = arith.constant 200 : i32
      %scan3A_146 = arith.addi %scan3A_144, %scan3A_145 : i32
      %scan3A_147 = arith.constant 1 : i32
      %scan3A_148 = scf.for %scan3A_170 = %scan3A_144 to %scan3A_146 step %scan3A_147 iter_args(%scan3A_171 = %scan3A_143) -> (i32)  : i32 {
        %get3A = arith.index_cast %scan3A_170 : i32 to index
        %get3A_172 = arith.constant 0 : index
        %get3A_173 = tpu.vector_load %arg6[%get3A, %get3A_172] {strides = array<i32>} : memref<200x128xf32, #tpu.memory_space<vmem>>, vector<1x16xf32>,
        %get3A_174 = vector.shape_cast %get3A_173 : vector<1x16xf32> to vector<16xf32>
        %swap3A = arith.index_cast %rem3A_110 : i32 to index
        %swap3A_175 = arith.index_cast %scan3A_170 : i32 to index
        %swap3A_176 = arith.constant 0 : index
        %swap3A_177 = tpu.vector_load %arg8[%swap3A, %swap3A_175, %swap3A_176] {strides = array<i32>} : memref<3x200x128xf32, #tpu.memory_space<vmem>>, vector<1x1x16xf32>,
        %swap3A_178 = vector.shape_cast %swap3A_177 : vector<1x1x16xf32> to vector<16xf32>
        %swap3A_179 = vector.shape_cast %get3A_174 : vector<16xf32> to vector<1x1x16xf32>
        tpu.vector_store %arg8[%swap3A, %swap3A_175, %swap3A_176], %swap3A_179 {add = true, strides = array<i32>} : memref<3x200x128xf32, #tpu.memory_space<vmem>>, vector<1x1x16xf32>,
        %get3A_180 = arith.index_cast %scan3A_170 : i32 to index
        %get3A_181 = arith.constant 16 : index
        %get3A_182 = tpu.vector_load %arg6[%get3A_180, %get3A_181] {strides = array<i32>} : memref<200x128xf32, #tpu.memory_space<vmem>>, vector<1x16xf32>,
        %get3A_183 = vector.shape_cast %get3A_182 : vector<1x16xf32> to vector<16xf32>
        %swap3A_184 = arith.index_cast %rem3A_110 : i32 to index
        %swap3A_185 = arith.index_cast %scan3A_170 : i32 to index
        %swap3A_186 = arith.constant 16 : index
        %swap3A_187 = tpu.vector_load %arg8[%swap3A_184, %swap3A_185, %swap3A_186] {strides = array<i32>} : memref<3x200x128xf32, #tpu.memory_space<vmem>>, vector<1x1x16xf32>,
        %swap3A_188 = vector.shape_cast %swap3A_187 : vector<1x1x16xf32> to vector<16xf32>
        %swap3A_189 = vector.shape_cast %get3A_183 : vector<16xf32> to vector<1x1x16xf32>
        tpu.vector_store %arg8[%swap3A_184, %swap3A_185, %swap3A_186], %swap3A_189 {add = true, strides = array<i32>} : memref<3x200x128xf32, #tpu.memory_space<vmem>>, vector<1x1x16xf32>,
        %get3A_190 = arith.index_cast %scan3A_170 : i32 to index
        %get3A_191 = arith.constant 32 : index
        %get3A_192 = tpu.vector_load %arg6[%get3A_190, %get3A_191] {strides = array<i32>} : memref<200x128xf32, #tpu.memory_space<vmem>>, vector<1x16xf32>,
        %get3A_193 = vector.shape_cast %get3A_192 : vector<1x16xf32> to vector<16xf32>
        %swap3A_194 = arith.index_cast %rem3A_110 : i32 to index
        %swap3A_195 = arith.index_cast %scan3A_170 : i32 to index
        %swap3A_196 = arith.constant 32 : index
        %swap3A_197 = tpu.vector_load %arg8[%swap3A_194, %swap3A_195, %swap3A_196] {strides = array<i32>} : memref<3x200x128xf32, #tpu.memory_space<vmem>>, vector<1x1x16xf32>,
        %swap3A_198 = vector.shape_cast %swap3A_197 : vector<1x1x16xf32> to vector<16xf32>
        %swap3A_199 = vector.shape_cast %get3A_193 : vector<16xf32> to vector<1x1x16xf32>
        tpu.vector_store %arg8[%swap3A_194, %swap3A_195, %swap3A_196], %swap3A_199 {add = true, strides = array<i32>} : memref<3x200x128xf32, #tpu.memory_space<vmem>>, vector<1x1x16xf32>,
        %get3A_200 = arith.index_cast %scan3A_170 : i32 to index
        %get3A_201 = arith.constant 48 : index
        %get3A_202 = tpu.vector_load %arg6[%get3A_200, %get3A_201] {strides = array<i32>} : memref<200x128xf32, #tpu.memory_space<vmem>>, vector<1x16xf32>,
        %get3A_203 = vector.shape_cast %get3A_202 : vector<1x16xf32> to vector<16xf32>
        %swap3A_204 = arith.index_cast %rem3A_110 : i32 to index
        %swap3A_205 = arith.index_cast %scan3A_170 : i32 to index
        %swap3A_206 = arith.constant 48 : index
        %swap3A_207 = tpu.vector_load %arg8[%swap3A_204, %swap3A_205, %swap3A_206] {strides = array<i32>} : memref<3x200x128xf32, #tpu.memory_space<vmem>>, vector<1x1x16xf32>,
        %swap3A_208 = vector.shape_cast %swap3A_207 : vector<1x1x16xf32> to vector<16xf32>
        %swap3A_209 = vector.shape_cast %get3A_203 : vector<16xf32> to vector<1x1x16xf32>
        tpu.vector_store %arg8[%swap3A_204, %swap3A_205, %swap3A_206], %swap3A_209 {add = true, strides = array<i32>} : memref<3x200x128xf32, #tpu.memory_space<vmem>>, vector<1x1x16xf32>,
        %get3A_210 = arith.index_cast %scan3A_170 : i32 to index
        %get3A_211 = arith.constant 64 : index
        %get3A_212 = tpu.vector_load %arg6[%get3A_210, %get3A_211] {strides = array<i32>} : memref<200x128xf32, #tpu.memory_space<vmem>>, vector<1x16xf32>,
        %get3A_213 = vector.shape_cast %get3A_212 : vector<1x16xf32> to vector<16xf32>
        %swap3A_214 = arith.index_cast %rem3A_110 : i32 to index
        %swap3A_215 = arith.index_cast %scan3A_170 : i32 to index
        %swap3A_216 = arith.constant 64 : index
        %swap3A_217 = tpu.vector_load %arg8[%swap3A_214, %swap3A_215, %swap3A_216] {strides = array<i32>} : memref<3x200x128xf32, #tpu.memory_space<vmem>>, vector<1x1x16xf32>,
        %swap3A_218 = vector.shape_cast %swap3A_217 : vector<1x1x16xf32> to vector<16xf32>
        %swap3A_219 = vector.shape_cast %get3A_213 : vector<16xf32> to vector<1x1x16xf32>
        tpu.vector_store %arg8[%swap3A_214, %swap3A_215, %swap3A_216], %swap3A_219 {add = true, strides = array<i32>} : memref<3x200x128xf32, #tpu.memory_space<vmem>>, vector<1x1x16xf32>,
        %get3A_220 = arith.index_cast %scan3A_170 : i32 to index
        %get3A_221 = arith.constant 80 : index
        %get3A_222 = tpu.vector_load %arg6[%get3A_220, %get3A_221] {strides = array<i32>} : memref<200x128xf32, #tpu.memory_space<vmem>>, vector<1x16xf32>,
        %get3A_223 = vector.shape_cast %get3A_222 : vector<1x16xf32> to vector<16xf32>
        %swap3A_224 = arith.index_cast %rem3A_110 : i32 to index
        %swap3A_225 = arith.index_cast %scan3A_170 : i32 to index
        %swap3A_226 = arith.constant 80 : index
        %swap3A_227 = tpu.vector_load %arg8[%swap3A_224, %swap3A_225, %swap3A_226] {strides = array<i32>} : memref<3x200x128xf32, #tpu.memory_space<vmem>>, vector<1x1x16xf32>,
        %swap3A_228 = vector.shape_cast %swap3A_227 : vector<1x1x16xf32> to vector<16xf32>
        %swap3A_229 = vector.shape_cast %get3A_223 : vector<16xf32> to vector<1x1x16xf32>
        tpu.vector_store %arg8[%swap3A_224, %swap3A_225, %swap3A_226], %swap3A_229 {add = true, strides = array<i32>} : memref<3x200x128xf32, #tpu.memory_space<vmem>>, vector<1x1x16xf32>,
        %get3A_230 = arith.index_cast %scan3A_170 : i32 to index
        %get3A_231 = arith.constant 96 : index
        %get3A_232 = tpu.vector_load %arg6[%get3A_230, %get3A_231] {strides = array<i32>} : memref<200x128xf32, #tpu.memory_space<vmem>>, vector<1x16xf32>,
        %get3A_233 = vector.shape_cast %get3A_232 : vector<1x16xf32> to vector<16xf32>
        %swap3A_234 = arith.index_cast %rem3A_110 : i32 to index
        %swap3A_235 = arith.index_cast %scan3A_170 : i32 to index
        %swap3A_236 = arith.constant 96 : index
        %swap3A_237 = tpu.vector_load %arg8[%swap3A_234, %swap3A_235, %swap3A_236] {strides = array<i32>} : memref<3x200x128xf32, #tpu.memory_space<vmem>>, vector<1x1x16xf32>,
        %swap3A_238 = vector.shape_cast %swap3A_237 : vector<1x1x16xf32> to vector<16xf32>
        %swap3A_239 = vector.shape_cast %get3A_233 : vector<16xf32> to vector<1x1x16xf32>
        tpu.vector_store %arg8[%swap3A_234, %swap3A_235, %swap3A_236], %swap3A_239 {add = true, strides = array<i32>} : memref<3x200x128xf32, #tpu.memory_space<vmem>>, vector<1x1x16xf32>,
        %get3A_240 = arith.index_cast %scan3A_170 : i32 to index
        %get3A_241 = arith.constant 112 : index
        %get3A_242 = tpu.vector_load %arg6[%get3A_240, %get3A_241] {strides = array<i32>} : memref<200x128xf32, #tpu.memory_space<vmem>>, vector<1x16xf32>,
        %get3A_243 = vector.shape_cast %get3A_242 : vector<1x16xf32> to vector<16xf32>
        %swap3A_244 = arith.index_cast %rem3A_110 : i32 to index
        %swap3A_245 = arith.index_cast %scan3A_170 : i32 to index
        %swap3A_246 = arith.constant 112 : index
        %swap3A_247 = tpu.vector_load %arg8[%swap3A_244, %swap3A_245, %swap3A_246] {strides = array<i32>} : memref<3x200x128xf32, #tpu.memory_space<vmem>>, vector<1x1x16xf32>,
        %swap3A_248 = vector.shape_cast %swap3A_247 : vector<1x1x16xf32> to vector<16xf32>
        %swap3A_249 = vector.shape_cast %get3A_243 : vector<16xf32> to vector<1x1x16xf32>
        tpu.vector_store %arg8[%swap3A_244, %swap3A_245, %swap3A_246], %swap3A_249 {add = true, strides = array<i32>} : memref<3x200x128xf32, #tpu.memory_space<vmem>>, vector<1x1x16xf32>,
        %scan3A_250 = arith.constant 0 : i32
        scf.yield %scan3A_250 : i32
      }
      %scan3A_149 = arith.constant 200 : i32
      %add3A_150 = arith.addi %mul3A_2, %scan3A_107 : i32
      %dma_start3A_151 = arith.constant 0 : i32
      %dma_start3A_152 = arith.constant 0 : i32
      %dma_start3A_153 = tpu.memref_slice %arg8[%rem3A_110, %dma_start3A_151, %dma_start3A_152] : memref<3x200x128xf32, #tpu.memory_space<vmem>> -> memref<1x200x128xf32, #tpu.memory_space<vmem>>
      %dma_start3A_154 = tpu.memref_squeeze %dma_start3A_153 : memref<1x200x128xf32, #tpu.memory_space<vmem>> -> memref<200x128xf32, #tpu.memory_space<vmem>>
      %dma_start3A_155 = arith.constant 0 : i32
      %dma_start3A_156 = arith.constant 0 : i32
      %dma_start3A_157 = tpu.memref_slice %arg5[%add3A_150, %dma_start3A_155, %dma_start3A_156] : memref<1024x200x128xf32, #tpu.memory_space<hbm>> -> memref<1x200x128xf32, #tpu.memory_space<hbm>>
      %dma_start3A_158 = tpu.memref_squeeze %dma_start3A_157 : memref<1x200x128xf32, #tpu.memory_space<hbm>> -> memref<200x128xf32, #tpu.memory_space<hbm>>
      %dma_start3A_159 = tpu.memref_slice %arg10[%rem3A_110] : memref<3x!tpu.dma_semaphore, #tpu.memory_space<semaphore_mem>> -> memref<1x!tpu.dma_semaphore, #tpu.memory_space<semaphore_mem>>
      %dma_start3A_160 = tpu.memref_squeeze %dma_start3A_159 : memref<1x!tpu.dma_semaphore, #tpu.memory_space<semaphore_mem>> -> memref<!tpu.dma_semaphore, #tpu.memory_space<semaphore_mem>>
      %dma_start3A_161 = arith.constant 0 : i32
      %dma_start3A_162 = arith.constant 0 : i32
      %dma_start3A_163 = tpu.memref_slice %arg5[%add3A_150, %dma_start3A_161, %dma_start3A_162] : memref<1024x200x128xf32, #tpu.memory_space<hbm>> -> memref<1x200x128xf32, #tpu.memory_space<hbm>>
      %dma_start3A_164 = tpu.memref_squeeze %dma_start3A_163 : memref<1x200x128xf32, #tpu.memory_space<hbm>> -> memref<200x128xf32, #tpu.memory_space<hbm>>
      %dma_start3A_165 = arith.constant 0 : i32
      %dma_start3A_166 = arith.constant 0 : i32
      %dma_start3A_167 = tpu.memref_slice %arg8[%rem3A_110, %dma_start3A_165, %dma_start3A_166] : memref<3x200x128xf32, #tpu.memory_space<vmem>> -> memref<1x200x128xf32, #tpu.memory_space<vmem>>
      %dma_start3A_168 = tpu.memref_squeeze %dma_start3A_167 : memref<1x200x128xf32, #tpu.memory_space<vmem>> -> memref<200x128xf32, #tpu.memory_space<vmem>>
      tpu.enqueue_dma source(%dma_start3A_168 : memref<200x128xf32, #tpu.memory_space<vmem>>) target(%dma_start3A_164 : memref<200x128xf32, #tpu.memory_space<hbm>>) target_semaphore(%dma_start3A_160 : memref<!tpu.dma_semaphore, #tpu.memory_space<semaphore_mem>>)
      %scan3A_169 = arith.constant 0 : i32
      scf.yield %scan3A_169 : i32
    }
    %scan3A_39 = arith.constant 32 : i32
    %rem3A = arith.constant 29 : i32
    %rem3A_40 = arith.constant 3 : i32
    %rem3A_41 = arith.remsi %rem3A, %rem3A_40 : i32
    %add3A_42 = arith.constant 29 : i32
    %add3A_43 = arith.addi %mul3A_2, %add3A_42 : i32
    %dma_wait3A = arith.constant 0 : i32
    %dma_wait3A_44 = arith.constant 0 : i32
    %dma_wait3A_45 = tpu.memref_slice %arg8[%rem3A_41, %dma_wait3A, %dma_wait3A_44] : memref<3x200x128xf32, #tpu.memory_space<vmem>> -> memref<1x200x128xf32, #tpu.memory_space<vmem>>
    %dma_wait3A_46 = tpu.memref_squeeze %dma_wait3A_45 : memref<1x200x128xf32, #tpu.memory_space<vmem>> -> memref<200x128xf32, #tpu.memory_space<vmem>>
    %dma_wait3A_47 = arith.constant 0 : i32
    %dma_wait3A_48 = arith.constant 0 : i32
    %dma_wait3A_49 = tpu.memref_slice %arg5[%add3A_43, %dma_wait3A_47, %dma_wait3A_48] : memref<1024x200x128xf32, #tpu.memory_space<hbm>> -> memref<1x200x128xf32, #tpu.memory_space<hbm>>
    %dma_wait3A_50 = tpu.memref_squeeze %dma_wait3A_49 : memref<1x200x128xf32, #tpu.memory_space<hbm>> -> memref<200x128xf32, #tpu.memory_space<hbm>>
    %dma_wait3A_51 = tpu.memref_slice %arg10[%rem3A_41] : memref<3x!tpu.dma_semaphore, #tpu.memory_space<semaphore_mem>> -> memref<1x!tpu.dma_semaphore, #tpu.memory_space<semaphore_mem>>
    %dma_wait3A_52 = tpu.memref_squeeze %dma_wait3A_51 : memref<1x!tpu.dma_semaphore, #tpu.memory_space<semaphore_mem>> -> memref<!tpu.dma_semaphore, #tpu.memory_space<semaphore_mem>>
    %dma_wait3A_53 = arith.constant 0 : i32
    %dma_wait3A_54 = arith.constant 0 : i32
    %dma_wait3A_55 = tpu.memref_slice %arg5[%add3A_43, %dma_wait3A_53, %dma_wait3A_54] : memref<1024x200x128xf32, #tpu.memory_space<hbm>> -> memref<1x200x128xf32, #tpu.memory_space<hbm>>
    %dma_wait3A_56 = tpu.memref_squeeze %dma_wait3A_55 : memref<1x200x128xf32, #tpu.memory_space<hbm>> -> memref<200x128xf32, #tpu.memory_space<hbm>>
    %dma_wait3A_57 = arith.constant 0 : i32
    %dma_wait3A_58 = arith.constant 0 : i32
    %dma_wait3A_59 = tpu.memref_slice %arg8[%rem3A_41, %dma_wait3A_57, %dma_wait3A_58] : memref<3x200x128xf32, #tpu.memory_space<vmem>> -> memref<1x200x128xf32, #tpu.memory_space<vmem>>
    %dma_wait3A_60 = tpu.memref_squeeze %dma_wait3A_59 : memref<1x200x128xf32, #tpu.memory_space<vmem>> -> memref<200x128xf32, #tpu.memory_space<vmem>>
    tpu.wait_dma2 semaphore(%dma_wait3A_52 : memref<!tpu.dma_semaphore, #tpu.memory_space<semaphore_mem>>) src(%dma_wait3A_60 : memref<200x128xf32, #tpu.memory_space<vmem>>) dst(%dma_wait3A_56 : memref<200x128xf32, #tpu.memory_space<hbm>>)
    %rem3A_61 = arith.constant 30 : i32
    %rem3A_62 = arith.constant 3 : i32
    %rem3A_63 = arith.remsi %rem3A_61, %rem3A_62 : i32
    %add3A_64 = arith.constant 30 : i32
    %add3A_65 = arith.addi %mul3A_2, %add3A_64 : i32
    %dma_wait3A_66 = arith.constant 0 : i32
    %dma_wait3A_67 = arith.constant 0 : i32
    %dma_wait3A_68 = tpu.memref_slice %arg8[%rem3A_63, %dma_wait3A_66, %dma_wait3A_67] : memref<3x200x128xf32, #tpu.memory_space<vmem>> -> memref<1x200x128xf32, #tpu.memory_space<vmem>>
    %dma_wait3A_69 = tpu.memref_squeeze %dma_wait3A_68 : memref<1x200x128xf32, #tpu.memory_space<vmem>> -> memref<200x128xf32, #tpu.memory_space<vmem>>
    %dma_wait3A_70 = arith.constant 0 : i32
    %dma_wait3A_71 = arith.constant 0 : i32
    %dma_wait3A_72 = tpu.memref_slice %arg5[%add3A_65, %dma_wait3A_70, %dma_wait3A_71] : memref<1024x200x128xf32, #tpu.memory_space<hbm>> -> memref<1x200x128xf32, #tpu.memory_space<hbm>>
    %dma_wait3A_73 = tpu.memref_squeeze %dma_wait3A_72 : memref<1x200x128xf32, #tpu.memory_space<hbm>> -> memref<200x128xf32, #tpu.memory_space<hbm>>
    %dma_wait3A_74 = tpu.memref_slice %arg10[%rem3A_63] : memref<3x!tpu.dma_semaphore, #tpu.memory_space<semaphore_mem>> -> memref<1x!tpu.dma_semaphore, #tpu.memory_space<semaphore_mem>>
    %dma_wait3A_75 = tpu.memref_squeeze %dma_wait3A_74 : memref<1x!tpu.dma_semaphore, #tpu.memory_space<semaphore_mem>> -> memref<!tpu.dma_semaphore, #tpu.memory_space<semaphore_mem>>
    %dma_wait3A_76 = arith.constant 0 : i32
    %dma_wait3A_77 = arith.constant 0 : i32
    %dma_wait3A_78 = tpu.memref_slice %arg5[%add3A_65, %dma_wait3A_76, %dma_wait3A_77] : memref<1024x200x128xf32, #tpu.memory_space<hbm>> -> memref<1x200x128xf32, #tpu.memory_space<hbm>>
    %dma_wait3A_79 = tpu.memref_squeeze %dma_wait3A_78 : memref<1x200x128xf32, #tpu.memory_space<hbm>> -> memref<200x128xf32, #tpu.memory_space<hbm>>
    %dma_wait3A_80 = arith.constant 0 : i32
    %dma_wait3A_81 = arith.constant 0 : i32
    %dma_wait3A_82 = tpu.memref_slice %arg8[%rem3A_63, %dma_wait3A_80, %dma_wait3A_81] : memref<3x200x128xf32, #tpu.memory_space<vmem>> -> memref<1x200x128xf32, #tpu.memory_space<vmem>>
    %dma_wait3A_83 = tpu.memref_squeeze %dma_wait3A_82 : memref<1x200x128xf32, #tpu.memory_space<vmem>> -> memref<200x128xf32, #tpu.memory_space<vmem>>
    tpu.wait_dma2 semaphore(%dma_wait3A_75 : memref<!tpu.dma_semaphore, #tpu.memory_space<semaphore_mem>>) src(%dma_wait3A_83 : memref<200x128xf32, #tpu.memory_space<vmem>>) dst(%dma_wait3A_79 : memref<200x128xf32, #tpu.memory_space<hbm>>)
    %rem3A_84 = arith.constant 31 : i32
    %rem3A_85 = arith.constant 3 : i32
    %rem3A_86 = arith.remsi %rem3A_84, %rem3A_85 : i32
    %add3A_87 = arith.constant 31 : i32
    %add3A_88 = arith.addi %mul3A_2, %add3A_87 : i32
    %dma_wait3A_89 = arith.constant 0 : i32
    %dma_wait3A_90 = arith.constant 0 : i32
    %dma_wait3A_91 = tpu.memref_slice %arg8[%rem3A_86, %dma_wait3A_89, %dma_wait3A_90] : memref<3x200x128xf32, #tpu.memory_space<vmem>> -> memref<1x200x128xf32, #tpu.memory_space<vmem>>
    %dma_wait3A_92 = tpu.memref_squeeze %dma_wait3A_91 : memref<1x200x128xf32, #tpu.memory_space<vmem>> -> memref<200x128xf32, #tpu.memory_space<vmem>>
    %dma_wait3A_93 = arith.constant 0 : i32
    %dma_wait3A_94 = arith.constant 0 : i32
    %dma_wait3A_95 = tpu.memref_slice %arg5[%add3A_88, %dma_wait3A_93, %dma_wait3A_94] : memref<1024x200x128xf32, #tpu.memory_space<hbm>> -> memref<1x200x128xf32, #tpu.memory_space<hbm>>
    %dma_wait3A_96 = tpu.memref_squeeze %dma_wait3A_95 : memref<1x200x128xf32, #tpu.memory_space<hbm>> -> memref<200x128xf32, #tpu.memory_space<hbm>>
    %dma_wait3A_97 = tpu.memref_slice %arg10[%rem3A_86] : memref<3x!tpu.dma_semaphore, #tpu.memory_space<semaphore_mem>> -> memref<1x!tpu.dma_semaphore, #tpu.memory_space<semaphore_mem>>
    %dma_wait3A_98 = tpu.memref_squeeze %dma_wait3A_97 : memref<1x!tpu.dma_semaphore, #tpu.memory_space<semaphore_mem>> -> memref<!tpu.dma_semaphore, #tpu.memory_space<semaphore_mem>>
    %dma_wait3A_99 = arith.constant 0 : i32
    %dma_wait3A_100 = arith.constant 0 : i32
    %dma_wait3A_101 = tpu.memref_slice %arg5[%add3A_88, %dma_wait3A_99, %dma_wait3A_100] : memref<1024x200x128xf32, #tpu.memory_space<hbm>> -> memref<1x200x128xf32, #tpu.memory_space<hbm>>
    %dma_wait3A_102 = tpu.memref_squeeze %dma_wait3A_101 : memref<1x200x128xf32, #tpu.memory_space<hbm>> -> memref<200x128xf32, #tpu.memory_space<hbm>>
    %dma_wait3A_103 = arith.constant 0 : i32
    %dma_wait3A_104 = arith.constant 0 : i32
    %dma_wait3A_105 = tpu.memref_slice %arg8[%rem3A_86, %dma_wait3A_103, %dma_wait3A_104] : memref<3x200x128xf32, #tpu.memory_space<vmem>> -> memref<1x200x128xf32, #tpu.memory_space<vmem>>
    %dma_wait3A_106 = tpu.memref_squeeze %dma_wait3A_105 : memref<1x200x128xf32, #tpu.memory_space<vmem>> -> memref<200x128xf32, #tpu.memory_space<vmem>>
    tpu.wait_dma2 semaphore(%dma_wait3A_98 : memref<!tpu.dma_semaphore, #tpu.memory_space<semaphore_mem>>) src(%dma_wait3A_106 : memref<200x128xf32, #tpu.memory_space<vmem>>) dst(%dma_wait3A_102 : memref<200x128xf32, #tpu.memory_space<hbm>>)
    return
  }
}

</mosaic_0001>

<sc_bundles>
// kernel: _emb_call.3.cloned.1.call-start
scs
__scs_entry_jumppad:
0x0: {  	(pc) =	sbr.rel $0x88, $3  }
0x1: {  	(tag) =	ssettag $0x0;
	lr =	simm.s32 $0x1  }
0x2: {  	[smem:$0x3F9E] =	sst lr;
	_ =	strace $0xD0000000  }
0x3: {  	_ = 	snop  }
0x4: {  	_ = 	snop  }
0x5: {  	_ = 	snop  }
0x6: {  	_ = 	snop  }
0x7: {  	_ = 	snop  }
__scs_overlays_trampoline_lowered:
0x8: {  	[smem:$0x3FAD] =	sst s0  }
0x9: {  	[smem:$0x3FAE] =	sst s1  }
0xa: {  	[smem:$0x3FAF] =	sst s2  }
0xb: {  	[smem:$0x3FB0] =	sst s3  }
0xc: {  	[smem:$0x3FB1] =	sst s4  }
0xd: {  	[smem:$0x3FB2] =	sst s5  }
0xe: {  	[smem:$0x3FB3] =	sst s6  }
0xf: {  	[smem:$0x3FB4] =	sst s7  }
0x10: {  	[smem:$0x3FB5] =	sst s8  }
0x11: {  	[smem:$0x3FB6] =	sst s9;
	s0 =	simm.s32 @!p0 $0x0  }
0x12: {  	s1 =	sld [smem:$0x3F9C];
	s0 =	simm.s32 @p0 $0x1  }
0x13: {  	[smem:$0x3FB7] =	sst s0;
	s0 =	simm.s32 @!p1 $0x0  }
0x14: {  	s2 =	sld [smem:$0x3F9B];
	s0 =	simm.s32 @p1 $0x1  }
0x15: {  	[smem:$0x3FB8] =	sst s0;
	s0 =	simm.s32 @!p2 $0x0  }
0x16: {  	s3 =	sld [smem:$0x3FDB];
	s0 =	simm.s32 @p2 $0x1  }
0x17: {  	s4 =	simm.s32 $0x1BF5;
	[smem:$0x3FBA] =	sst s0  }
0x18: {  	s0 =	sld [smem:$0x3F9D];
	_ =	swait.ge [sflag:s4], $0x0  }
0x19: {  	s7 =	sld [smem:$0x3F9E]  }
0x1a: {  	s8 =	sadd.s32 $0xFFFFE003, lr  }
0x1b: {  	s9 =	sadd.s32 $0xFFFFFEF7, lr;
	s5 =	simm.s32 $0xFFFFFFFF;
	p2 =	slt.u32 s8, $0xFFFFF086  }
0x1c: {  	p1 =	slt.u32 s9, $0xF7A;
	s5 =	simm.s32 @!p2 $0x0  }
0x1d: {  	s5 =	simm.s32 @p1 $0x1;
	p0 =	seq.s32 s7, s2  }
0x1e: {  	s7 =	smul.u32 @!p0 $0xF7A, s2;
	p2 =	seq.s32 @!p0 s5, $0x0  }
0x1f: {  	s9 =	smul.u32 $0xF7A, s1;
	s8 =	simm.s32 @!p0 $0x1BF5;
	p2 =	por !p2, p0  }
0x20: {  	[sflag:s8] =	ssyncset.s32 @!p0 $0xFFFFF086;
	s6 =	sadd.s32 @!p0 s3, s7;
	s7 =	simm.s32 @!p0 $0x108  }
0x21: {  	s3 =	sadd.s32 s3, s9;
	s6 =	sadd.s32 @!p0 $0x88, s6;
	s7 =	simm.s32 @p2 $0x1082  }
0x22: {  	[simem:s7], [sflag:s8] =	dma.local @!p0 [hbm:s6], $0xF7A  }
0x23: {  	s9 =	sor.u32 $0xD0000000, s2;
	s6 =	simm.s32 $0x108;
	_ =	swait.ge @!p0 [sflag:s8], $0x0  }
0x24: {  	s3 =	sadd.s32 $0x88, s3;
	s6 =	simm.s32 @!p1 $0x1082;
	[sflag:s4] =	ssyncset.s32 $0xFFFFF086  }
0x25: {  	[simem:s6], [sflag:s4] =	dma.local [hbm:s3], $0xF7A  }
0x26: {  	[smem:$0x3F9E] =	sst s1;
	(tag) =	ssettag s2;
	_ =	strace s9  }
0x27: {  	s1 =	sld [smem:$0x3FAE]  }
0x28: {  	s2 =	sld [smem:$0x3FAF]  }
0x29: {  	s4 =	sld [smem:$0x3FB1]  }
0x2a: {  	p0 =	seq.s32 s5, $0x0;
	s5 =	sld [smem:$0x3FB2]  }
0x2b: {  	s6 =	sld [smem:$0x3FB3]  }
0x2c: {  	s7 =	sld [smem:$0x3FB4]  }
0x2d: {  	s3 =	simm.s32 $0x108;
	s8 =	sld [smem:$0x3FB5]  }
0x2e: {  	s3 =	simm.s32 @!p0 $0x1082;
	s9 =	sld [smem:$0x3FB6]  }
0x2f: {  	lr =	sadd.s32 s0, s3;
	s0 =	sld [smem:$0x3FAD]  }
0x30: {  	s3 =	sld [smem:$0x3FB0]  }
0x31: {  	[smem:$0x3FB9] =	sst s10  }
0x32: {  	s10 =	sld [smem:$0x3FB7];
	_ =	sdelay $0x3  }
0x33: {  	p0 =	seq.s32 s10, $0x1;
	s10 =	sld [smem:$0x3FB9];
	_ =	sdelay $0x3  }
0x34: {  	[smem:$0x3FB9] =	sst s10  }
0x35: {  	s10 =	sld [smem:$0x3FB8];
	_ =	sdelay $0x3  }
0x36: {  	p1 =	seq.s32 s10, $0x1;
	s10 =	sld [smem:$0x3FB9];
	_ =	sdelay $0x3  }
0x37: {  	[smem:$0x3FB9] =	sst s10  }
0x38: {  	s10 =	sld [smem:$0x3FBA]  }
0x39: {  	_ = 	snop;
	(pc) =	sbr.ind lr, $3  }
0x3a: {  	_ = 	snop  }
0x3b: {  	_ = 	snop  }
0x3c: {  	p2 =	seq.s32 s10, $0x1;
	s10 =	sld [smem:$0x3FB9]  }
0x3d: {  	_ =	shalt  }
0x3e: {  	_ =	shalt  }
0x3f: {  	_ =	shalt  }
0x40: {  	_ =	shalt  }
0x41: {  	_ =	shalt  }
0x42: {  	_ =	shalt  }
0x43: {  	_ =	shalt  }
0x44: {  	_ =	shalt  }
0x45: {  	_ =	shalt  }
0x46: {  	_ =	shalt  }
0x47: {  	_ =	shalt  }
0x48: {  	_ =	shalt  }
0x49: {  	_ =	shalt  }
0x4a: {  	_ =	shalt  }
0x4b: {  	_ =	shalt  }
0x4c: {  	_ =	shalt  }
0x4d: {  	_ =	shalt  }
0x4e: {  	_ =	shalt  }
0x4f: {  	_ =	shalt  }
0x50: {  	_ =	shalt  }
0x51: {  	_ =	shalt  }
0x52: {  	_ =	shalt  }
0x53: {  	_ =	shalt  }
0x54: {  	_ =	shalt  }
0x55: {  	_ =	shalt  }
0x56: {  	_ =	shalt  }
0x57: {  	_ =	shalt  }
0x58: {  	_ =	shalt  }
0x59: {  	_ =	shalt  }
0x5a: {  	_ =	shalt  }
0x5b: {  	_ =	shalt  }
0x5c: {  	_ =	shalt  }
0x5d: {  	_ =	shalt  }
0x5e: {  	_ =	shalt  }
0x5f: {  	_ =	shalt  }
0x60: {  	_ =	shalt  }
0x61: {  	_ =	shalt  }
0x62: {  	_ =	shalt  }
0x63: {  	_ =	shalt  }
0x64: {  	_ =	shalt  }
0x65: {  	_ =	shalt  }
0x66: {  	_ =	shalt  }
0x67: {  	_ =	shalt  }
0x68: {  	_ =	shalt  }
0x69: {  	_ =	shalt  }
0x6a: {  	_ =	shalt  }
0x6b: {  	_ =	shalt  }
0x6c: {  	_ =	shalt  }
0x6d: {  	_ =	shalt  }
0x6e: {  	_ =	shalt  }
0x6f: {  	_ =	shalt  }
0x70: {  	_ =	shalt  }
0x71: {  	_ =	shalt  }
0x72: {  	_ =	shalt  }
0x73: {  	_ =	shalt  }
0x74: {  	_ =	shalt  }
0x75: {  	_ =	shalt  }
0x76: {  	_ =	shalt  }
0x77: {  	_ =	shalt  }
0x78: {  	_ =	shalt  }
0x79: {  	_ =	shalt  }
0x7a: {  	_ =	shalt  }
0x7b: {  	_ =	shalt  }
0x7c: {  	_ =	shalt  }
0x7d: {  	_ =	shalt  }
0x7e: {  	_ =	shalt  }
0x7f: {  	_ =	shalt  }
0x80: {  	_ =	shalt  }
0x81: {  	_ =	shalt  }
0x82: {  	_ =	shalt  }
0x83: {  	_ =	shalt  }
0x84: {  	_ =	shalt  }
0x85: {  	_ =	shalt  }
0x86: {  	_ =	shalt  }
0x87: {  	_ =	shalt  }
.Lfunc_end0:
.L_simem_size_0:
called_computation_lowered:
.L_overlay_start_0:
0x88: {  	s2 =	sld [smem:$0x3FD9]  }
0x89: {  	s3 =	sld [smem:$0x3FFE];
	_ =	sdelay $0x1  }
0x8a: {  	s1 =	srdreg.scid  }
0x8b: {  	s0 =	sand.u32 $0x1, s1  }
0x8c: {  	s17 =	sshll.u32 s0, $0xA;
	s2 =	sadd.s32 s3, s2  }
0x8d: {  	s2 =	sadd.s32 s2, s17  }
0x8e: {  	[smem:$0x3FC5] =	sst s2  }
0x8f: {  	_ = 	snop  }
0x90: {  	s2 =	sld [smem:$0x3FC8]  }
0x91: {  	s18 =	sld [smem:$0x3FC7]  }
0x92: {  	s4 =	sld [smem:$0x3FD0];
	(tm) =	ssettm $0x1  }
0x93: {  	s5 =	sld [smem:$0x3FFB];
	_ =	sdelay $0x3  }
0x94: {  	_ =	strace s5  }
0x95: {  	s5 =	sld [smem:$0x3FFC];
	_ =	sdelay $0x3  }
0x96: {  	_ =	strace s5  }
0x97: {  	s5 =	sld [smem:$0x3FFD];
	_ =	sdelay $0x3  }
0x98: {  	_ =	strace s5  }
0x99: {  	_ =	strace $0x8FFFFFFF  }
0x9a: {  	s19 =	sld [smem:$0x3FDB];
	_ =	sdelay $0x1  }
0x9b: {  	s6 =	simm.s32 $_scs_section_size  }
0x9c: {  	s7 =	simm.s32 $_size__tile_overlayer_lowered;
	s8 =	simm.s32 $_tile_overlayer_lowered  }
0x9d: {  	s22 =	simm.s32 $0x1BFF;
	s21 =	sshll.u32 s8, $0x1;
	s5 =	sadd.s32 s6, s19  }
0x9e: {  	s9 =	simm.s32 $0x0;
	s20 =	sshll.u32 s7, $0x1;
	s7 =	sadd.s32 s21, s5  }
0x9f: {  	[timem:s9], [sflag:s22] =	dma.local [hbm:s7], s20  }
0xa0: {  	_ =	swait.ge [sflag:s22], s20  }
0xa1: {  	s6 =	ssub.s32 $0x0, s20;
	[sflag:s22] =	ssyncset.done $0x0  }
0xa2: {  	[sflag:s22] =	ssyncadd.s32 s6;
	_ =	sdelay $0x1  }
0xa3: {  	s23 =	simm.s32 $0x1B8B  }
0xa4: {  	_ =	swait.ge [sflag:s23], $0x1  }
0xa5: {  	[sflag:s23] =	ssyncset.done $0x0  }
0xa6: {  	s25 =	simm.s32 $0x1B8E;
	s24 =	sld [smem:$0x3FFE];
	[sflag:s23] =	ssyncadd.s32 $0xFFFFFFFF  }
0xa7: {  	s26 =	simm.s32 $execute0_lowered;
	[smem:$0x3FD2] =	sst s25  }
0xa8: {  	s7 =	sshll.u32 s26, $0x1;
	_ =	strace $0x80000046;
	[dreg:$0x1] =	wrdreg $0xFFFFFFFF  }
0xa9: {  	s28 =	simm.s32 $_size_execute0_lowered;
	s5 =	sadd.s32 s5, s7;
	[dreg:$0x0] =	wrdreg $0x0  }
0xaa: {  	s7 =	sshll.u32 s28, $0x1;
	[dreg:$0x2] =	wrdreg s5  }
0xab: {  	[dreg:$0x3] =	wrdreg s7  }
0xac: {  	[dreg:$0x4] =	wrdreg $0xC0  }
0xad: {  	_ =	task [dreg:s9], $0x5FFFF  }
0xae: {  	[dreg:$0x1] =	wrdreg $0xFFFFFFFF  }
0xaf: {  	[dreg:$0x0] =	wrdreg $0x60  }
0xb0: {  	[dreg:$0x2] =	wrdreg s24  }
0xb1: {  	[dreg:$0x3] =	wrdreg s2  }
0xb2: {  	[dreg:$0x4] =	wrdreg s18  }
0xb3: {  	[dreg:$0x5] =	wrdreg s4  }
0xb4: {  	[dreg:$0x6] =	wrdreg $0x9  }
0xb5: {  	_ =	task.clear_ibuf [dreg:s9], $0x7FFFF;
	_ =	strace $0x90000046  }
0xb6: {  	s29 =	simm.s32 $0x9;
	_ =	strace $0x80000048  }
0xb7: {  	_ =	swait.ge [sflag:s29], $0x1  }
0xb8: {  	[sflag:s29] =	ssyncadd.s32 $0xFFFFFFFF  }
0xb9: {  	_ =	strace $0x90000048  }
0xba: {  	_ =	sfence  }
0xbb: {  	s30 =	sld [smem:$0x0];
	_ =	sdelay $0x2  }
0xbc: {  	s31 =	sshll.u32 s1, $0xD;
	s1 =	sshrl.u32 s1, $0x2  }
0xbd: {  	s3 =	sand.u32 $0x4000, s31;
	s1 =	sadd.s32 s1, s30  }
0xbe: {  	s0 =	sor.u32 s3, s0;
	s1 =	sshll.u32 s1, $0x11  }
0xbf: {  	s0 =	sor.u32 s1, s0  }
0xc0: {  	s0 =	sadd.s32 $0x8F2B, s0  }
0xc1: {  	[sflag:s0] =	ssyncadd.remote.s32 $0x1  }
0xc2: {  	_ =	sfence.sel $0xFFFF  }
0xc3: {  	[dreg:$0x0] =	wrdreg $0xFFFFFFFF;
	(pc) =	sbr.abs _section_cstart, $3  }
0xc4: {  	[dreg:$0x1] =	wrdreg $0xFFFFFFFF  }
0xc5: {  	_ =	task.clear_ibuf [dreg:s9], $0x2FFFF;
	_ =	strace $0x9FFFFFFF  }
0xc6: {  	(tm) =	ssettm $0x7FFFFFFF  }
0xc7: {  	_ =	shalt  }
tec
execute0_lowered:
.L_overlay_start_1:
0x0: {  	(tag) =	ssettag $0x1  }
0x1: {  	s7 =	rddreg [dreg:$0x0]  }
0x2: {  	s1 =	rddreg [dreg:$0x1]  }
0x3: {  	s2 =	srdreg.scid;
	s3 =	rddreg [dreg:$0x2]  }
0x4: {  	s0 =	stileid.u32;
	s4 =	rddreg [dreg:$0x3]  }
0x5: {  	s11 =	simm.s32 $0x64;
	s12 =	simm.s32 $0x6480;
	s13 =	simm.s32 $0xB600  }
0x6: {  	s14 =	simm.s32 $0x6;
	s15 =	simm.s32 $0x4;
	s16 =	simm.s32 $0x5  }
0x7: {  	s17 =	simm.s32 $0x0;
	s6 =	sand.u32 $0x1, s2;
	s5 =	sshll.u32 s0, $0x6  }
0x8: {  	s2 =	rddreg [dreg:$0x4];
	s8 =	sshll.u32 s6, $0x5;
	s31 =	ssub.s32 $0x2, s6  }
0x9: {  	s6 =	simm.s32 $0x0;
	s5 =	sor.u32 s8, s5;
	s10 =	sshrl.u32 s31, $0x1  }
0xa: {  	[smem:$0x7FF] =	sst s6;
	s9 =	sshll.u32 s5, $0x5;
	s8 =	ssub.s32 s31, s10  }
0xb: {  	_ =	strace $0x80000047;
	s10 =	simm.s32 $0x6400;
	s7 =	sadd.s32 s9, s7  }
0xc: {  	s8 =	smax.u32 s8, $0x1;
	s9 =	simm.s32 $0x7;
	s7 =	sadd.s32 $0x400, s7  }
.LBB2_1:
0xd: {  	[tilespmem:s6], [sflag:$0x7] =	stream.linear.gather [hbm4b:s3+s6], $0x6400, $0x38;
	[tilespmem:$0x1B000] =	vst v63  }
0xe: {  	_ =	swait.ge [sflag:s9], $0x6400  }
0xf: {  	[sflag:s9] =	ssyncset.done $0x0  }
0x10: {  	[sflag:s9] =	ssyncadd.s32 $0xFFFF9C00  }
0x11: {  	[tilespmem:s10], [sflag:$0x7] =	stream.linear.gather [hbm4b:s7+s6], $0x2000, $0x38;
	[tilespmem:$0x1B000] =	vst v63  }
0x12: {  	_ =	swait.ge [sflag:s9], $0x2000  }
0x13: {  	[sflag:s9] =	ssyncset.done $0x0  }
0x14: {  	s18 =	simm.s32 $0x8400;
	[sflag:s9] =	ssyncadd.s32 $0xFFFFE000  }
0x15: {  	[tilespmem:s18], [sflag:$0x1] =	stream.indirect.gather [hbm4b:s1+s11], $0x80, s10, s11, $0xb8;
	[tilespmem:$0x1B000] =	vst v63  }
0x16: {  	s19 =	simm.s32 $0x0  }
0x17: {  	[tilespmem:s13], [sflag:$0x1] =	stream.indirect.gather [hbm4b:s1+s11], $0x80, s12, s11, $0xb8;
	[tilespmem:$0x1B000] =	vst v63  }
.LBB2_2:
0x18: {  	s21 =	smul.u32 $0xAB, s19;
	_ =	sdelay $0x1  }
0x19: {  	s20 =	sshrl.u32 s21, $0x9  }
0x1a: {  	s20 =	sand.u32 $0x7F, s20  }
0x1b: {  	s20 =	smul.u32 $0x3, s20;
	_ =	sdelay $0x1  }
0x1c: {  	s22 =	smulhi.u32 $0xAAAAAAAB, s19;
	s20 =	ssub.s32 s19, s20  }
0x1d: {  	p0 =	seq.s32 s19, $0x1F;
	s21 =	sadd.s32 $0xAB, s21;
	s20 =	sand.u32 $0xFF, s20  }
0x1e: {  	p1 =	slt.u32 @!p0 s19, $0x2;
	s21 =	sshrl.u32 s21, $0x9;
	s23 =	sadd.s32 $0x1, s20  }
0x1f: {  	s29 =	simm.s32 @!p0 $0x64;
	s21 =	sand.u32 $0x7F, s21;
	_ =	swait.ge [sflag:s23], $0x3200  }
0x20: {  	s22 =	sshrl.u32 s22, $0x1;
	s24 =	smul.u32 $0x3, s21;
	[sflag:s23] =	ssyncset.done $0x0  }
0x21: {  	p1 =	por p1, p0;
	s21 =	sadd.s32 $0x1, s19;
	[sflag:s23] =	ssyncadd.s32 $0xFFFFCE00  }
0x22: {  	s22 =	smul.u32 $0xFFFB5000, s22;
	s24 =	ssub.s32 s21, s24;
	_ =	swait.ge [sflag:s23], $0x3200  }
0x23: {  	s26 =	sshll.u32 @!p0 s21, $0x8;
	s24 =	sand.u32 $0xFF, s24;
	[sflag:s23] =	ssyncset.done $0x0  }
0x24: {  	s25 =	smul.u32 @!p0 $0x19000, s24;
	[sflag:s23] =	ssyncadd.s32 $0xFFFFCE00;
	s23 =	sadd.s32 @!p1 $0x4, s24  }
0x25: {  	s22 =	sshra.s32 s22, $0x2;
	s26 =	sand.u32 @!p0 $0x3FFFFF00, s26;
	_ =	swait.ge @!p1 [sflag:s23], $0x6400  }
0x26: {  	s28 =	sadd.s32 @!p0 $0x6400, s26;
	s25 =	sshrl.u32 @!p0 s25, $0x2;
	[sflag:s23] =	ssyncset.done @!p1 $0x0  }
0x27: {  	s24 =	sadd.s32 @!p0 $0x1, s24;
	[sflag:s23] =	ssyncadd.s32 @!p1 $0xFFFF9C00;
	s23 =	sadd.s32 @!p0 $0x8400, s25  }
0x28: {  	[tilespmem:s23], [sflag:s24] =	stream.indirect.gather @!p0 [hbm4b:s1+s29], $0x80, s28, s29, $0xb8;
	[tilespmem:$0x1B000] =	vst v63  }
0x29: {  	s30 =	smul.u32 $0x19000, s20;
	s23 =	sadd.s32 @!p0 $0xB600, s25;
	s25 =	sadd.s32 @!p0 $0x6480, s26  }
0x2a: {  	[tilespmem:s23], [sflag:s24] =	stream.indirect.gather @!p0 [hbm4b:s1+s29], $0x80, s25, s29, $0xb8;
	[tilespmem:$0x1B000] =	vst v63  }
0x2b: {  	s31 =	sshrl.u32 s30, $0x2;
	s24 =	sadd.s32 s22, s18  }
0x2c: {  	s22 =	sadd.s32 $0x8400, s31;
	s23 =	simm.s32 $0x0;
	s25 =	simm.s32 $0x200  }
.LBB2_3:
0x2d: {  	p0 =	sne.s32 s25, $0x18E00;
	v0 =	vld [tilespmem:s23+$0x0];
	_ =	sdelay $0x3  }
0x2e: {  	s26 =	sadd.s32 s23, s24  }
0x2f: {  	[tilespmem:s26+$0x0] =	vst.add.f32.msk $0xffff, v0  }
0x30: {  	v0 =	vld [tilespmem:s23+$0x10];
	_ =	sdelay $0x4  }
0x31: {  	[tilespmem:s26+$0x10] =	vst.add.f32.msk $0xffff, v0  }
0x32: {  	v0 =	vld [tilespmem:s23+$0x20];
	_ =	sdelay $0x4  }
0x33: {  	[tilespmem:s26+$0x20] =	vst.add.f32.msk $0xffff, v0  }
0x34: {  	v0 =	vld [tilespmem:s23+$0x30];
	_ =	sdelay $0x4  }
0x35: {  	[tilespmem:s26+$0x30] =	vst.add.f32.msk $0xffff, v0  }
0x36: {  	v0 =	vld [tilespmem:s23+$0x40];
	_ =	sdelay $0x4  }
0x37: {  	[tilespmem:s26+$0x40] =	vst.add.f32.msk $0xffff, v0  }
0x38: {  	v0 =	vld [tilespmem:s23+$0x50];
	_ =	sdelay $0x4  }
0x39: {  	[tilespmem:s26+$0x50] =	vst.add.f32.msk $0xffff, v0  }
0x3a: {  	v0 =	vld [tilespmem:s23+$0x60];
	_ =	sdelay $0x4  }
0x3b: {  	[tilespmem:s26+$0x60] =	vst.add.f32.msk $0xffff, v0  }
0x3c: {  	v0 =	vld [tilespmem:s23+$0x70]  }
.Ltmp0:
0x3d: {  	(pc) =	sbr.rel @p0 .LBB2_3-.Ltmp0, $2  }
0x3e: {  	_ =	sdelay $0x2  }
0x3f: {  	s23 =	sshra.s32 s25, $0x2;
	s25 =	sadd.s32 $0x200, s25;
	[tilespmem:s26+$0x70] =	vst.add.f32.msk $0xffff, v0  }
0x40: {  	v0 =	vld [tilespmem:s23+$0x0];
	_ =	sdelay $0x3  }
0x41: {  	s24 =	sadd.s32 s23, s24  }
0x42: {  	[tilespmem:s24+$0x0] =	vst.add.f32.msk $0xffff, v0  }
0x43: {  	v0 =	vld [tilespmem:s23+$0x10];
	_ =	sdelay $0x4  }
0x44: {  	[tilespmem:s24+$0x10] =	vst.add.f32.msk $0xffff, v0  }
0x45: {  	v0 =	vld [tilespmem:s23+$0x20];
	_ =	sdelay $0x4  }
0x46: {  	[tilespmem:s24+$0x20] =	vst.add.f32.msk $0xffff, v0  }
0x47: {  	v0 =	vld [tilespmem:s23+$0x30];
	_ =	sdelay $0x4  }
0x48: {  	[tilespmem:s24+$0x30] =	vst.add.f32.msk $0xffff, v0  }
0x49: {  	v0 =	vld [tilespmem:s23+$0x40];
	_ =	sdelay $0x4  }
0x4a: {  	[tilespmem:s24+$0x40] =	vst.add.f32.msk $0xffff, v0  }
0x4b: {  	v0 =	vld [tilespmem:s23+$0x50];
	_ =	sdelay $0x4  }
0x4c: {  	[tilespmem:s24+$0x50] =	vst.add.f32.msk $0xffff, v0  }
0x4d: {  	v0 =	vld [tilespmem:s23+$0x60];
	_ =	sdelay $0x4  }
0x4e: {  	[tilespmem:s24+$0x60] =	vst.add.f32.msk $0xffff, v0  }
0x4f: {  	v0 =	vld [tilespmem:s23+$0x70]  }
0x50: {  	s19 =	sadd.s32 s5, s19  }
0x51: {  	p0 =	sne.s32 s21, $0x20;
	s19 =	smul.u32 $0xC80, s19  }
.Ltmp1:
0x52: {  	_ = 	snop;
	(pc) =	sbr.rel @p0 .LBB2_2-.Ltmp1, $4  }
0x53: {  	_ = 	snop  }
0x54: {  	s20 =	sadd.s32 $0x4, s20;
	s19 =	sadd.s32 s4, s19;
	[tilespmem:s24+$0x70] =	vst.add.f32.msk $0xffff, v0  }
0x55: {  	[hbm4b:s19+s6] =	stream.linear.scatter [tilespmem:s22], [sflag:s20], $0x6400, $0x38;
	[tilespmem:$0x1B000] =	vst v63  }
0x56: {  	s18 =	sadd.s32 $0x6400, s18;
	s19 =	smov.u32 s21  }
0x57: {  	_ =	swait.ge [sflag:s14], $0x6400  }
0x58: {  	[sflag:s14] =	ssyncset.done $0x0  }
0x59: {  	s17 =	sadd.s32 $0x1, s17;
	[sflag:s14] =	ssyncadd.s32 $0xFFFF9C00  }
0x5a: {  	p0 =	sne.s32 s17, s8;
	_ =	swait.ge [sflag:s15], $0x6400  }
.Ltmp2:
0x5b: {  	[sflag:s15] =	ssyncset.done $0x0;
	(pc) =	sbr.rel @p0 .LBB2_1-.Ltmp2, $4  }
0x5c: {  	[sflag:s15] =	ssyncadd.s32 $0xFFFF9C00  }
0x5d: {  	_ =	swait.ge [sflag:s16], $0x6400  }
0x5e: {  	[sflag:s16] =	ssyncset.done $0x0  }
0x5f: {  	[sflag:s16] =	ssyncadd.s32 $0xFFFF9C00  }
0x60: {  	_ =	sfence.sel $0x180000  }
0x61: {  	[bflag:$0x0] =	sbarrier.arrive $0xFFFF  }
0x62: {  	p0 =	sne.s32 s0, $0x0;
	_ =	strace $0x90000047  }
0x63: {  	s0 =	sadd.s32 @!p0 $0x100000, s2;
	[bflag:$0x2] =	sbarrier.arrive $0xFFFF  }
0x64: {  	[sflag:s0] =	ssyncadd.tile.s32 @!p0 $0x1;
	_ =	shalt  }
.Lfunc_end2:
_tile_overlayer_lowered:
.L_overlay_start_2:
0x65: {  	(tag) =	ssettag $0x2  }
0x66: {  	s0 =	rddreg [dreg:$0x0];
	s2 =	stileid.u32  }
0x67: {  	s1 =	rddreg [dreg:$0x1];
	p0 =	sne.s32 s2, $0x0  }
0x68: {  	s3 =	rddreg [dreg:$0x2];
	[bflag:$0x3] =	sbarrier.arrive $0xFFFF;
	s2 =	simm.s32 @!p0 $0x1C07  }
0x69: {  	[timem:s3], [sflag:s2] =	dma.local @!p0 [hbm:s0], s1  }
0x6a: {  	s0 =	simm.s32 @!p0 $0x7  }
0x6b: {  	_ =	swait.ge @!p0 [sflag:s0], s1  }
0x6c: {  	s1 =	ssub.s32 @!p0 $0x0, s1;
	[sflag:s0] =	ssyncset.done @!p0 $0x0  }
0x6d: {  	[sflag:s0] =	ssyncadd.s32 @!p0 s1  }
0x6e: {  	[bflag:$0x3] =	sbarrier.arrive $0xFFFF  }
0x6f: {  	_ =	shalt  }

</sc_bundles>
